<compile_context>
chip_gen: v7x
topology: tpu7x:2x2x1
jax: 0.10.2.dev20260603
libtpu: 0.0.44.dev20260713+nightly
codegen_flags: <defaults>
</compile_context>

<pallas_src>
import jax
import jax.numpy as jnp
from jax import lax
from jax.experimental import pallas as pl
from jax.experimental.pallas import tpu as pltpu
from jax.experimental.pallas import tpu_sc as plsc

PAD_ID = 0
LANES = 16
NUM_CORES = 2
NUM_SUBCORES = 16
BN = 6144
GCH = 4


def _project(emb_table, w2):
    V, D = emb_table.shape
    tt = emb_table.T
    nb = pl.cdiv(V, BN)

    def body(w_ref, t_ref, o_ref):
        o_ref[...] = jnp.dot(w_ref[...], t_ref[...],
                             preferred_element_type=jnp.float32)

    return pl.pallas_call(
        body,
        grid=(nb,),
        in_specs=[pl.BlockSpec((2, D), lambda i: (0, 0)),
                  pl.BlockSpec((D, BN), lambda i: (0, i))],
        out_specs=pl.BlockSpec((2, BN), lambda i: (0, i)),
        out_shape=jax.ShapeDtypeStruct((2, V), jnp.float32),
    )(w2, tt)


def _sc_scorer(B, L, V, LP1):
    RPT = B // NUM_SUBCORES
    NCH = (LP1 + LANES - 1) // LANES
    NTOK = RPT * LP1
    INV_PAD = ((L + 1 + 63) // 64) * 64

    mesh = plsc.VectorSubcoreMesh(
        core_axis_name="c", subcore_axis_name="s")

    SL = (V // NUM_SUBCORES) // 8 * 8

    def body(tok_hbm, p_hbm, inv_hbm, out_hbm,
             idx_v, vals, inv_v, stage, p_sh, *sems):
        cid = lax.axis_index("c")
        sid = lax.axis_index("s")
        tok_base = cid * B * LP1 + sid * NTOK
        pltpu.sync_copy(inv_hbm, inv_v)
        pltpu.sync_copy(tok_hbm.at[pl.ds(tok_base, NTOK)], idx_v)

        s_off = sid * SL
        pltpu.sync_copy(p_hbm.at[cid, pl.ds(s_off, SL)],
                        p_sh.at[pl.ds(s_off, SL)])

        @pl.when(sid == NUM_SUBCORES - 1)
        def _():
            rem_off = NUM_SUBCORES * SL
            if V - NUM_SUBCORES * SL > 0:
                pltpu.sync_copy(p_hbm.at[cid, pl.ds(rem_off, V - rem_off)],
                                p_sh.at[pl.ds(rem_off, V - rem_off)])

        plsc.subcore_barrier()

        for q in range(GCH):
            pltpu.async_copy(
                p_sh.at[idx_v.at[pl.ds(q * (NTOK // GCH), NTOK // GCH)]],
                vals.at[pl.ds(q * (NTOK // GCH), NTOK // GCH)], sems[q])
        for q in range(GCH):
            pltpu.make_async_copy(
                p_sh.at[idx_v.at[pl.ds(q * (NTOK // GCH), NTOK // GCH)]],
                vals.at[pl.ds(q * (NTOK // GCH), NTOK // GCH)],
                sems[q]).wait()

        lane = jnp.arange(LANES, dtype=jnp.int32)
        zeros_f = jnp.zeros((LANES,), jnp.float32)
        zeros_i = jnp.zeros((LANES,), jnp.int32)
        struct = [jnp.arange(k * LANES, (k + 1) * LANES) < LP1
                  for k in range(NCH)]

        def do_row(b, carry):
            acc = zeros_f
            cnt = zeros_i
            for k in range(NCH):
                pos = jnp.minimum(lane + (b * LP1 + k * LANES), NTOK - 1)
                tok = plsc.load_gather(idx_v, [pos])
                val = plsc.load_gather(vals, [pos])
                m = jnp.asarray(struct[k]) & (tok != PAD_ID)
                acc = acc + jnp.where(m, val, 0.0)
                cnt = cnt + jnp.where(m, 1, 0).astype(jnp.int32)

            inv = plsc.load_gather(inv_v, [zeros_i + jnp.sum(cnt)])
            score = (zeros_f + jnp.sum(acc)) * inv
            plsc.store_scatter(stage, [b * LANES + lane], score)
            return carry

        lax.fori_loop(0, RPT, do_row, jnp.int32(0))

        pltpu.sync_copy(
            stage,
            out_hbm.at[pl.ds(cid * B * LANES + sid * RPT * LANES,
                             RPT * LANES)])

    return pl.kernel(
        body,
        out_type=jax.ShapeDtypeStruct((2 * B * LANES,), jnp.float32),
        mesh=mesh,
        compiler_params=pltpu.CompilerParams(
            needs_layout_passes=False, use_tc_tiling_on_sc=False),
        scratch_types=[
            pltpu.VMEM((NTOK,), jnp.int32),
            pltpu.VMEM((NTOK,), jnp.float32),
            pltpu.VMEM((INV_PAD,), jnp.float32),
            pltpu.VMEM((RPT * LANES,), jnp.float32),
            pltpu.VMEM_SHARED((V,), jnp.float32),
        ] + [pltpu.SemaphoreType.DMA] * GCH,
    )


def kernel(candidates, head_mentions, emb_table, fc_w, fc_b):
    B, L = candidates.shape
    V, D = emb_table.shape

    w2 = jnp.stack((fc_w[:D, 0], fc_w[D:, 0]))
    p = _project(emb_table, w2)

    INV_PAD = ((L + 1 + 63) // 64) * 64
    inv_tab = jnp.where(
        jnp.arange(INV_PAD) <= L,
        1.0 / (jnp.float32(L) * jnp.arange(INV_PAD, dtype=jnp.float32)),
        0.0).astype(jnp.float32)

    LP1 = ((L + 7) // 8) * 8
    toks = jnp.stack((candidates, head_mentions))
    toks = jnp.pad(toks, ((0, 0), (0, 0), (0, LP1 - L))).reshape(-1)

    halves = _sc_scorer(B, L, V, LP1)(toks, p, inv_tab)
    o = halves.reshape(2, B, LANES)
    return (o[0, :, :1] + o[1, :, :1]) + fc_b

# --- scband reference (transcript-rebuilt; emitter-appended) ---
"""Pipeline reference for scband-noncontextual-scorer-16587163697998 (READ-ONLY COPY).

The authoritative reference and input builder live on the scoring server;
editing this copy changes nothing except your own understanding.
"""

import jax, jax.numpy as jnp
import numpy as np

EMBEDDING_SIZE = 300
PAD_ID = 0
VOCAB = 1000000
B = 4096
L = 50

def setup_inputs(seed: int = 0) -> dict:
    key = jax.random.key(seed)
    k1, k2, k3, k4 = jax.random.split(key, 4)
    candidates = jax.random.randint(k1, (B, L), 0, VOCAB, dtype=jnp.int32)
    head_mentions = jax.random.randint(k2, (B, L), 0, VOCAB, dtype=jnp.int32)
    emb_table = jax.random.normal(k3, (VOCAB, EMBEDDING_SIZE), dtype=jnp.float32) * 0.02
    fc_w = jax.random.normal(k4, (2 * EMBEDDING_SIZE, 1), dtype=jnp.float32) * 0.05
    fc_b = jnp.zeros((1,), dtype=jnp.float32)
    return {"candidates": candidates, "head_mentions": head_mentions, "emb_table": emb_table, "fc_w": fc_w, "fc_b": fc_b}

def _avg_embed(tokens, emb_table):
    embs = jnp.take(emb_table, tokens, axis=0)  # [B, L, D] gather
    mask = (tokens != PAD_ID)[..., None]        # [B, L, 1]
    masked = mask * embs
    # faithful to torch: mean over seq dim, then divide by count of non-pad
    return jnp.mean(masked, axis=1) / jnp.sum(mask, axis=1)

def reference(candidates, head_mentions, emb_table, fc_w, fc_b):
    # dropout p=0.0 (eval) -> identity
    cand_embs = _avg_embed(candidates, emb_table)
    head_embs = _avg_embed(head_mentions, emb_table)
    combined = jnp.concatenate((cand_embs, head_embs), axis=1)  # [B, 600]
    scores = combined @ fc_w + fc_b  # [B, 1]
    return scores

if __name__ == "__main__":
    import jax
    _d = setup_inputs()
    print(jax.jit(kernel)(*tuple(_d.values())))

</pallas_src>

<mosaic_0001>
#map = affine_map<(d0, d1) -> (0)>
#map1 = affine_map<(d0, d1) -> (0, 0)>
module attributes {stable_mosaic.version = 14 : i64} {
  func.func @body(%arg0: i32, %arg1: i32, %arg2: memref<458752xi32, #tpu.memory_space<hbm>>, %arg3: memref<2x1000000xf32, #tpu.memory_space<hbm>>, %arg4: memref<64xf32, #tpu.memory_space<hbm>>, %arg5: memref<131072xf32, #tpu.memory_space<hbm>>, %arg6: memref<14336xi32, #tpu.memory_space<vmem>>, %arg7: memref<14336xf32, #tpu.memory_space<vmem>>, %arg8: memref<64xf32, #tpu.memory_space<vmem>>, %arg9: memref<4096xf32, #tpu.memory_space<vmem>>, %arg10: memref<1000000xf32, #tpu.memory_space<vmem_shared>>, %arg11: memref<!tpu.dma_semaphore, #tpu.memory_space<semaphore_mem>>, %arg12: memref<!tpu.dma_semaphore, #tpu.memory_space<semaphore_mem>>, %arg13: memref<!tpu.dma_semaphore, #tpu.memory_space<semaphore_mem>>, %arg14: memref<!tpu.dma_semaphore, #tpu.memory_space<semaphore_mem>>) attributes {dimension_semantics = [#tpu.dimension_semantics<core_parallel>, #tpu.dimension_semantics<subcore_parallel>], iteration_bounds = array<i64: 2, 16>, scalar_prefetch = 0 : i64, scratch_operands = 9 : i64, tpu.core_type = #tpu.core_type<sc_vector_subcore>, window_params = [{transform_indices = #map}, {transform_indices = #map1}, {transform_indices = #map}, {transform_indices = #map}]} {
    %mul3A = arith.constant 4096 : i32
    %mul3A_0 = arith.muli %arg0, %mul3A : i32
    %mul3A_1 = arith.constant 56 : i32
    %mul3A_2 = arith.muli %mul3A_0, %mul3A_1 : i32
    %mul3A_3 = arith.constant 14336 : i32
    %mul3A_4 = arith.muli %arg1, %mul3A_3 : i32
    %add3A = arith.addi %mul3A_2, %mul3A_4 : i32
    "tpu.region"() ({
      %run_scoped3A = tpu.sem_alloc : memref<!tpu.dma_semaphore, #tpu.memory_space<semaphore_mem>>
      tpu.enqueue_dma source(%arg4 : memref<64xf32, #tpu.memory_space<hbm>>) target(%arg8 : memref<64xf32, #tpu.memory_space<vmem>>) target_semaphore(%run_scoped3A : memref<!tpu.dma_semaphore, #tpu.memory_space<semaphore_mem>>)
      tpu.wait_dma2 semaphore(%run_scoped3A : memref<!tpu.dma_semaphore, #tpu.memory_space<semaphore_mem>>) src(%arg4 : memref<64xf32, #tpu.memory_space<hbm>>) dst(%arg8 : memref<64xf32, #tpu.memory_space<vmem>>)
      tpu.yield
    }) : () -> ()
    "tpu.region"() ({
      %run_scoped3A = tpu.sem_alloc : memref<!tpu.dma_semaphore, #tpu.memory_space<semaphore_mem>>
      %dma_start3A_96 = tpu.memref_slice %arg2[%add3A] : memref<458752xi32, #tpu.memory_space<hbm>> -> memref<14336xi32, #tpu.memory_space<hbm>>
      %dma_start3A_97 = tpu.memref_slice %arg2[%add3A] : memref<458752xi32, #tpu.memory_space<hbm>> -> memref<14336xi32, #tpu.memory_space<hbm>>
      tpu.enqueue_dma source(%dma_start3A_97 : memref<14336xi32, #tpu.memory_space<hbm>>) target(%arg6 : memref<14336xi32, #tpu.memory_space<vmem>>) target_semaphore(%run_scoped3A : memref<!tpu.dma_semaphore, #tpu.memory_space<semaphore_mem>>)
      %dma_wait3A_98 = tpu.memref_slice %arg2[%add3A] : memref<458752xi32, #tpu.memory_space<hbm>> -> memref<14336xi32, #tpu.memory_space<hbm>>
      %dma_wait3A_99 = tpu.memref_slice %arg2[%add3A] : memref<458752xi32, #tpu.memory_space<hbm>> -> memref<14336xi32, #tpu.memory_space<hbm>>
      tpu.wait_dma2 semaphore(%run_scoped3A : memref<!tpu.dma_semaphore, #tpu.memory_space<semaphore_mem>>) src(%dma_wait3A_99 : memref<14336xi32, #tpu.memory_space<hbm>>) dst(%arg6 : memref<14336xi32, #tpu.memory_space<vmem>>)
      tpu.yield
    }) : () -> ()
    %mul3A_5 = arith.constant 62496 : i32
    %mul3A_6 = arith.muli %arg1, %mul3A_5 : i32
    "tpu.region"() ({
      %run_scoped3A = tpu.sem_alloc : memref<!tpu.dma_semaphore, #tpu.memory_space<semaphore_mem>>
      %dma_start3A_96 = tpu.memref_slice %arg10[%mul3A_6] : memref<1000000xf32, #tpu.memory_space<vmem_shared>> -> memref<62496xf32, #tpu.memory_space<vmem_shared>>
      %dma_start3A_97 = tpu.memref_slice %arg3[%arg0, %mul3A_6] : memref<2x1000000xf32, #tpu.memory_space<hbm>> -> memref<1x62496xf32, #tpu.memory_space<hbm>>
      %dma_start3A_98 = tpu.memref_squeeze %dma_start3A_97 : memref<1x62496xf32, #tpu.memory_space<hbm>> -> memref<62496xf32, #tpu.memory_space<hbm>>
      tpu.enqueue_dma source(%dma_start3A_98 : memref<62496xf32, #tpu.memory_space<hbm>>) target(%dma_start3A_96 : memref<62496xf32, #tpu.memory_space<vmem_shared>>) target_semaphore(%run_scoped3A : memref<!tpu.dma_semaphore, #tpu.memory_space<semaphore_mem>>)
      %dma_wait3A_99 = tpu.memref_slice %arg10[%mul3A_6] : memref<1000000xf32, #tpu.memory_space<vmem_shared>> -> memref<62496xf32, #tpu.memory_space<vmem_shared>>
      %dma_wait3A_100 = tpu.memref_slice %arg3[%arg0, %mul3A_6] : memref<2x1000000xf32, #tpu.memory_space<hbm>> -> memref<1x62496xf32, #tpu.memory_space<hbm>>
      %dma_wait3A_101 = tpu.memref_squeeze %dma_wait3A_100 : memref<1x62496xf32, #tpu.memory_space<hbm>> -> memref<62496xf32, #tpu.memory_space<hbm>>
      tpu.wait_dma2 semaphore(%run_scoped3A : memref<!tpu.dma_semaphore, #tpu.memory_space<semaphore_mem>>) src(%dma_wait3A_101 : memref<62496xf32, #tpu.memory_space<hbm>>) dst(%dma_wait3A_99 : memref<62496xf32, #tpu.memory_space<vmem_shared>>)
      tpu.yield
    }) : () -> ()
    %eq3A = arith.constant 15 : i32
    %eq3A_7 = arith.cmpi eq, %arg1, %eq3A : i32
    %convert_element_type3A = arith.extui %eq3A_7 : i1 to i32
    %cond3A = arith.constant 0 : i32
    %cond3A_8 = arith.cmpi ne, %convert_element_type3A, %cond3A : i32
    scf.if %cond3A_8 {
      "tpu.region"() ({
        %run_scoped3A = tpu.sem_alloc : memref<!tpu.dma_semaphore, #tpu.memory_space<semaphore_mem>>
        %dma_start3A_96 = arith.constant 999936 : i32
        %dma_start3A_97 = tpu.memref_slice %arg10[%dma_start3A_96] : memref<1000000xf32, #tpu.memory_space<vmem_shared>> -> memref<64xf32, #tpu.memory_space<vmem_shared>>
        %dma_start3A_98 = arith.constant 999936 : i32
        %dma_start3A_99 = tpu.memref_slice %arg3[%arg0, %dma_start3A_98] : memref<2x1000000xf32, #tpu.memory_space<hbm>> -> memref<1x64xf32, #tpu.memory_space<hbm>>
        %dma_start3A_100 = tpu.memref_squeeze %dma_start3A_99 : memref<1x64xf32, #tpu.memory_space<hbm>> -> memref<64xf32, #tpu.memory_space<hbm>>
        tpu.enqueue_dma source(%dma_start3A_100 : memref<64xf32, #tpu.memory_space<hbm>>) target(%dma_start3A_97 : memref<64xf32, #tpu.memory_space<vmem_shared>>) target_semaphore(%run_scoped3A : memref<!tpu.dma_semaphore, #tpu.memory_space<semaphore_mem>>)
        %dma_wait3A_101 = arith.constant 999936 : i32
        %dma_wait3A_102 = tpu.memref_slice %arg10[%dma_wait3A_101] : memref<1000000xf32, #tpu.memory_space<vmem_shared>> -> memref<64xf32, #tpu.memory_space<vmem_shared>>
        %dma_wait3A_103 = arith.constant 999936 : i32
        %dma_wait3A_104 = tpu.memref_slice %arg3[%arg0, %dma_wait3A_103] : memref<2x1000000xf32, #tpu.memory_space<hbm>> -> memref<1x64xf32, #tpu.memory_space<hbm>>
        %dma_wait3A_105 = tpu.memref_squeeze %dma_wait3A_104 : memref<1x64xf32, #tpu.memory_space<hbm>> -> memref<64xf32, #tpu.memory_space<hbm>>
        tpu.wait_dma2 semaphore(%run_scoped3A : memref<!tpu.dma_semaphore, #tpu.memory_space<semaphore_mem>>) src(%dma_wait3A_105 : memref<64xf32, #tpu.memory_space<hbm>>) dst(%dma_wait3A_102 : memref<64xf32, #tpu.memory_space<vmem_shared>>)
        tpu.yield
      }) : () -> ()
    } else {
    }
    %barrier3A = arith.constant 0 : index
    tpu.barrier barrier_id(%barrier3A)
    %dma_start3A = arith.constant 0 : i32
    %dma_start3A_9 = tpu.memref_slice %arg7[%dma_start3A] : memref<14336xf32, #tpu.memory_space<vmem>> -> memref<3584xf32, #tpu.memory_space<vmem>>
    %dma_start3A_10 = arith.constant 0 : i32
    %dma_start3A_11 = tpu.memref_slice %arg6[%dma_start3A_10] : memref<14336xi32, #tpu.memory_space<vmem>> -> memref<3584xi32, #tpu.memory_space<vmem>>
    %dma_start3A_12 = arith.constant 0 : i32
    %dma_start3A_13 = tpu.memref_slice %arg10[%dma_start3A_12] : memref<1000000xf32, #tpu.memory_space<vmem_shared>> -> memref<1000000xf32, #tpu.memory_space<vmem_shared>>
    tpu.enqueue_indirect_dma source(%dma_start3A_13 : memref<1000000xf32, #tpu.memory_space<vmem_shared>>) target(%dma_start3A_9 : memref<3584xf32, #tpu.memory_space<vmem>>) offsets(%dma_start3A_11 : memref<3584xi32, #tpu.memory_space<vmem>>) semaphore(%arg11 : memref<!tpu.dma_semaphore, #tpu.memory_space<semaphore_mem>>)
    %dma_start3A_14 = arith.constant 3584 : i32
    %dma_start3A_15 = tpu.memref_slice %arg7[%dma_start3A_14] : memref<14336xf32, #tpu.memory_space<vmem>> -> memref<3584xf32, #tpu.memory_space<vmem>>
    %dma_start3A_16 = arith.constant 3584 : i32
    %dma_start3A_17 = tpu.memref_slice %arg6[%dma_start3A_16] : memref<14336xi32, #tpu.memory_space<vmem>> -> memref<3584xi32, #tpu.memory_space<vmem>>
    %dma_start3A_18 = arith.constant 0 : i32
    %dma_start3A_19 = tpu.memref_slice %arg10[%dma_start3A_18] : memref<1000000xf32, #tpu.memory_space<vmem_shared>> -> memref<1000000xf32, #tpu.memory_space<vmem_shared>>
    tpu.enqueue_indirect_dma source(%dma_start3A_19 : memref<1000000xf32, #tpu.memory_space<vmem_shared>>) target(%dma_start3A_15 : memref<3584xf32, #tpu.memory_space<vmem>>) offsets(%dma_start3A_17 : memref<3584xi32, #tpu.memory_space<vmem>>) semaphore(%arg12 : memref<!tpu.dma_semaphore, #tpu.memory_space<semaphore_mem>>)
    %dma_start3A_20 = arith.constant 7168 : i32
    %dma_start3A_21 = tpu.memref_slice %arg7[%dma_start3A_20] : memref<14336xf32, #tpu.memory_space<vmem>> -> memref<3584xf32, #tpu.memory_space<vmem>>
    %dma_start3A_22 = arith.constant 7168 : i32
    %dma_start3A_23 = tpu.memref_slice %arg6[%dma_start3A_22] : memref<14336xi32, #tpu.memory_space<vmem>> -> memref<3584xi32, #tpu.memory_space<vmem>>
    %dma_start3A_24 = arith.constant 0 : i32
    %dma_start3A_25 = tpu.memref_slice %arg10[%dma_start3A_24] : memref<1000000xf32, #tpu.memory_space<vmem_shared>> -> memref<1000000xf32, #tpu.memory_space<vmem_shared>>
    tpu.enqueue_indirect_dma source(%dma_start3A_25 : memref<1000000xf32, #tpu.memory_space<vmem_shared>>) target(%dma_start3A_21 : memref<3584xf32, #tpu.memory_space<vmem>>) offsets(%dma_start3A_23 : memref<3584xi32, #tpu.memory_space<vmem>>) semaphore(%arg13 : memref<!tpu.dma_semaphore, #tpu.memory_space<semaphore_mem>>)
    %dma_start3A_26 = arith.constant 10752 : i32
    %dma_start3A_27 = tpu.memref_slice %arg7[%dma_start3A_26] : memref<14336xf32, #tpu.memory_space<vmem>> -> memref<3584xf32, #tpu.memory_space<vmem>>
    %dma_start3A_28 = arith.constant 10752 : i32
    %dma_start3A_29 = tpu.memref_slice %arg6[%dma_start3A_28] : memref<14336xi32, #tpu.memory_space<vmem>> -> memref<3584xi32, #tpu.memory_space<vmem>>
    %dma_start3A_30 = arith.constant 0 : i32
    %dma_start3A_31 = tpu.memref_slice %arg10[%dma_start3A_30] : memref<1000000xf32, #tpu.memory_space<vmem_shared>> -> memref<1000000xf32, #tpu.memory_space<vmem_shared>>
    tpu.enqueue_indirect_dma source(%dma_start3A_31 : memref<1000000xf32, #tpu.memory_space<vmem_shared>>) target(%dma_start3A_27 : memref<3584xf32, #tpu.memory_space<vmem>>) offsets(%dma_start3A_29 : memref<3584xi32, #tpu.memory_space<vmem>>) semaphore(%arg14 : memref<!tpu.dma_semaphore, #tpu.memory_space<semaphore_mem>>)
    %dma_wait3A = arith.constant 0 : i32
    %dma_wait3A_32 = tpu.memref_slice %arg7[%dma_wait3A] : memref<14336xf32, #tpu.memory_space<vmem>> -> memref<3584xf32, #tpu.memory_space<vmem>>
    %dma_wait3A_33 = arith.constant 0 : i32
    %dma_wait3A_34 = tpu.memref_slice %arg6[%dma_wait3A_33] : memref<14336xi32, #tpu.memory_space<vmem>> -> memref<3584xi32, #tpu.memory_space<vmem>>
    %dma_wait3A_35 = arith.constant 0 : i32
    %dma_wait3A_36 = tpu.memref_slice %arg10[%dma_wait3A_35] : memref<1000000xf32, #tpu.memory_space<vmem_shared>> -> memref<1000000xf32, #tpu.memory_space<vmem_shared>>
    tpu.wait_indirect_dma semaphore(%arg11 : memref<!tpu.dma_semaphore, #tpu.memory_space<semaphore_mem>>) src(%dma_wait3A_36 : memref<1000000xf32, #tpu.memory_space<vmem_shared>>) dst(%dma_wait3A_32 : memref<3584xf32, #tpu.memory_space<vmem>>)
    %dma_wait3A_37 = arith.constant 3584 : i32
    %dma_wait3A_38 = tpu.memref_slice %arg7[%dma_wait3A_37] : memref<14336xf32, #tpu.memory_space<vmem>> -> memref<3584xf32, #tpu.memory_space<vmem>>
    %dma_wait3A_39 = arith.constant 3584 : i32
    %dma_wait3A_40 = tpu.memref_slice %arg6[%dma_wait3A_39] : memref<14336xi32, #tpu.memory_space<vmem>> -> memref<3584xi32, #tpu.memory_space<vmem>>
    %dma_wait3A_41 = arith.constant 0 : i32
    %dma_wait3A_42 = tpu.memref_slice %arg10[%dma_wait3A_41] : memref<1000000xf32, #tpu.memory_space<vmem_shared>> -> memref<1000000xf32, #tpu.memory_space<vmem_shared>>
    tpu.wait_indirect_dma semaphore(%arg12 : memref<!tpu.dma_semaphore, #tpu.memory_space<semaphore_mem>>) src(%dma_wait3A_42 : memref<1000000xf32, #tpu.memory_space<vmem_shared>>) dst(%dma_wait3A_38 : memref<3584xf32, #tpu.memory_space<vmem>>)
    %dma_wait3A_43 = arith.constant 7168 : i32
    %dma_wait3A_44 = tpu.memref_slice %arg7[%dma_wait3A_43] : memref<14336xf32, #tpu.memory_space<vmem>> -> memref<3584xf32, #tpu.memory_space<vmem>>
    %dma_wait3A_45 = arith.constant 7168 : i32
    %dma_wait3A_46 = tpu.memref_slice %arg6[%dma_wait3A_45] : memref<14336xi32, #tpu.memory_space<vmem>> -> memref<3584xi32, #tpu.memory_space<vmem>>
    %dma_wait3A_47 = arith.constant 0 : i32
    %dma_wait3A_48 = tpu.memref_slice %arg10[%dma_wait3A_47] : memref<1000000xf32, #tpu.memory_space<vmem_shared>> -> memref<1000000xf32, #tpu.memory_space<vmem_shared>>
    tpu.wait_indirect_dma semaphore(%arg13 : memref<!tpu.dma_semaphore, #tpu.memory_space<semaphore_mem>>) src(%dma_wait3A_48 : memref<1000000xf32, #tpu.memory_space<vmem_shared>>) dst(%dma_wait3A_44 : memref<3584xf32, #tpu.memory_space<vmem>>)
    %dma_wait3A_49 = arith.constant 10752 : i32
    %dma_wait3A_50 = tpu.memref_slice %arg7[%dma_wait3A_49] : memref<14336xf32, #tpu.memory_space<vmem>> -> memref<3584xf32, #tpu.memory_space<vmem>>
    %dma_wait3A_51 = arith.constant 10752 : i32
    %dma_wait3A_52 = tpu.memref_slice %arg6[%dma_wait3A_51] : memref<14336xi32, #tpu.memory_space<vmem>> -> memref<3584xi32, #tpu.memory_space<vmem>>
    %dma_wait3A_53 = arith.constant 0 : i32
    %dma_wait3A_54 = tpu.memref_slice %arg10[%dma_wait3A_53] : memref<1000000xf32, #tpu.memory_space<vmem_shared>> -> memref<1000000xf32, #tpu.memory_space<vmem_shared>>
    tpu.wait_indirect_dma semaphore(%arg14 : memref<!tpu.dma_semaphore, #tpu.memory_space<semaphore_mem>>) src(%dma_wait3A_54 : memref<1000000xf32, #tpu.memory_space<vmem_shared>>) dst(%dma_wait3A_50 : memref<3584xf32, #tpu.memory_space<vmem>>)
    %iota3A = tpu.iota {dimensions = array<i32: 0>} : vector<16xi32>
    %broadcast_in_dim3A = arith.constant 0.000000e+00 : f32
    %broadcast_in_dim3A_55 = vector.broadcast %broadcast_in_dim3A : f32 to vector<16xf32>
    %broadcast_in_dim3A_56 = arith.constant 0 : i32
    %broadcast_in_dim3A_57 = vector.broadcast %broadcast_in_dim3A_56 : i32 to vector<16xi32>
    %iota3A_58 = tpu.iota {dimensions = array<i32: 0>} : vector<16xi32>
    %lt3A = arith.constant 56 : i32
    %lt3A_59 = vector.broadcast %lt3A : i32 to vector<16xi32>
    %lt3A_60 = arith.cmpi slt, %iota3A_58, %lt3A_59 : vector<16xi32>
    %iota3A_61 = tpu.iota {dimensions = array<i32: 0>} : vector<16xi32>
    %add3A_62 = arith.constant 16 : i32
    %add3A_63 = vector.broadcast %add3A_62 : i32 to vector<16xi32>
    %add3A_64 = arith.addi %add3A_63, %iota3A_61 : vector<16xi32>
    %lt3A_65 = arith.constant 56 : i32
    %lt3A_66 = vector.broadcast %lt3A_65 : i32 to vector<16xi32>
    %lt3A_67 = arith.cmpi slt, %add3A_64, %lt3A_66 : vector<16xi32>
    %iota3A_68 = tpu.iota {dimensions = array<i32: 0>} : vector<16xi32>
    %add3A_69 = arith.constant 32 : i32
    %add3A_70 = vector.broadcast %add3A_69 : i32 to vector<16xi32>
    %add3A_71 = arith.addi %add3A_70, %iota3A_68 : vector<16xi32>
    %lt3A_72 = arith.constant 56 : i32
    %lt3A_73 = vector.broadcast %lt3A_72 : i32 to vector<16xi32>
    %lt3A_74 = arith.cmpi slt, %add3A_71, %lt3A_73 : vector<16xi32>
    %iota3A_75 = tpu.iota {dimensions = array<i32: 0>} : vector<16xi32>
    %add3A_76 = arith.constant 48 : i32
    %add3A_77 = vector.broadcast %add3A_76 : i32 to vector<16xi32>
    %add3A_78 = arith.addi %add3A_77, %iota3A_75 : vector<16xi32>
    %lt3A_79 = arith.constant 56 : i32
    %lt3A_80 = vector.broadcast %lt3A_79 : i32 to vector<16xi32>
    %lt3A_81 = arith.cmpi slt, %add3A_78, %lt3A_80 : vector<16xi32>
    %scan3A = arith.constant 0 : i32
    %scan3A_82 = arith.constant 0 : i32
    %scan3A_83 = arith.constant 256 : i32
    %scan3A_84 = arith.addi %scan3A_82, %scan3A_83 : i32
    %scan3A_85 = arith.constant 1 : i32
    scf.for %scan3A_96 = %scan3A_82 to %scan3A_84 step %scan3A_85  : i32 {
      %mul3A_97 = arith.constant 56 : i32
      %mul3A_98 = arith.muli %scan3A_96, %mul3A_97 : i32
      %add3A_99 = arith.constant 0 : i32
      %add3A_100 = arith.addi %mul3A_98, %add3A_99 : i32
      %add3A_101 = vector.broadcast %add3A_100 : i32 to vector<16xi32>
      %add3A_102 = arith.addi %iota3A, %add3A_101 : vector<16xi32>
      %min3A = arith.constant 14335 : i32
      %min3A_103 = vector.broadcast %min3A : i32 to vector<16xi32>
      %min3A_104 = arith.minsi %add3A_102, %min3A_103 : vector<16xi32>
      %gather3A = tpu.vector_load_idx %arg6[%min3A_104] : memref<14336xi32, #tpu.memory_space<vmem>>[vector<16xi32>], vector<16xi32>,
      %gather3A_105 = tpu.vector_load_idx %arg7[%min3A_104] : memref<14336xf32, #tpu.memory_space<vmem>>[vector<16xi32>], vector<16xf32>,
      %ne3A = arith.constant 0 : i32
      %ne3A_106 = vector.broadcast %ne3A : i32 to vector<16xi32>
      %ne3A_107 = arith.cmpi ne, %gather3A, %ne3A_106 : vector<16xi32>
      %and3A = arith.andi %lt3A_60, %ne3A_107 : vector<16xi1>
      %jit3A = arith.constant 0.000000e+00 : f32
      %broadcast_in_dim3A_108 = vector.broadcast %jit3A : f32 to vector<16xf32>
      %select_n3A = arith.select %and3A, %gather3A_105, %broadcast_in_dim3A_108 : vector<16xi1>, vector<16xf32>
      %add3A_109 = arith.addf %broadcast_in_dim3A_55, %select_n3A : vector<16xf32>
      %jit3A_110 = arith.constant 1 : i32
      %jit3A_111 = arith.constant 0 : i32
      %broadcast_in_dim3A_112 = vector.broadcast %jit3A_110 : i32 to vector<16xi32>
      %broadcast_in_dim3A_113 = vector.broadcast %jit3A_111 : i32 to vector<16xi32>
      %select_n3A_114 = arith.select %and3A, %broadcast_in_dim3A_112, %broadcast_in_dim3A_113 : vector<16xi1>, vector<16xi32>
      %add3A_115 = arith.addi %broadcast_in_dim3A_57, %select_n3A_114 : vector<16xi32>
      %mul3A_116 = arith.constant 56 : i32
      %mul3A_117 = arith.muli %scan3A_96, %mul3A_116 : i32
      %add3A_118 = arith.constant 16 : i32
      %add3A_119 = arith.addi %mul3A_117, %add3A_118 : i32
      %add3A_120 = vector.broadcast %add3A_119 : i32 to vector<16xi32>
      %add3A_121 = arith.addi %iota3A, %add3A_120 : vector<16xi32>
      %min3A_122 = arith.constant 14335 : i32
      %min3A_123 = vector.broadcast %min3A_122 : i32 to vector<16xi32>
      %min3A_124 = arith.minsi %add3A_121, %min3A_123 : vector<16xi32>
      %gather3A_125 = tpu.vector_load_idx %arg6[%min3A_124] : memref<14336xi32, #tpu.memory_space<vmem>>[vector<16xi32>], vector<16xi32>,
      %gather3A_126 = tpu.vector_load_idx %arg7[%min3A_124] : memref<14336xf32, #tpu.memory_space<vmem>>[vector<16xi32>], vector<16xf32>,
      %ne3A_127 = arith.constant 0 : i32
      %ne3A_128 = vector.broadcast %ne3A_127 : i32 to vector<16xi32>
      %ne3A_129 = arith.cmpi ne, %gather3A_125, %ne3A_128 : vector<16xi32>
      %and3A_130 = arith.andi %lt3A_67, %ne3A_129 : vector<16xi1>
      %jit3A_131 = arith.constant 0.000000e+00 : f32
      %broadcast_in_dim3A_132 = vector.broadcast %jit3A_131 : f32 to vector<16xf32>
      %select_n3A_133 = arith.select %and3A_130, %gather3A_126, %broadcast_in_dim3A_132 : vector<16xi1>, vector<16xf32>
      %add3A_134 = arith.addf %add3A_109, %select_n3A_133 : vector<16xf32>
      %jit3A_135 = arith.constant 1 : i32
      %jit3A_136 = arith.constant 0 : i32
      %broadcast_in_dim3A_137 = vector.broadcast %jit3A_135 : i32 to vector<16xi32>
      %broadcast_in_dim3A_138 = vector.broadcast %jit3A_136 : i32 to vector<16xi32>
      %select_n3A_139 = arith.select %and3A_130, %broadcast_in_dim3A_137, %broadcast_in_dim3A_138 : vector<16xi1>, vector<16xi32>
      %add3A_140 = arith.addi %add3A_115, %select_n3A_139 : vector<16xi32>
      %mul3A_141 = arith.constant 56 : i32
      %mul3A_142 = arith.muli %scan3A_96, %mul3A_141 : i32
      %add3A_143 = arith.constant 32 : i32
      %add3A_144 = arith.addi %mul3A_142, %add3A_143 : i32
      %add3A_145 = vector.broadcast %add3A_144 : i32 to vector<16xi32>
      %add3A_146 = arith.addi %iota3A, %add3A_145 : vector<16xi32>
      %min3A_147 = arith.constant 14335 : i32
      %min3A_148 = vector.broadcast %min3A_147 : i32 to vector<16xi32>
      %min3A_149 = arith.minsi %add3A_146, %min3A_148 : vector<16xi32>
      %gather3A_150 = tpu.vector_load_idx %arg6[%min3A_149] : memref<14336xi32, #tpu.memory_space<vmem>>[vector<16xi32>], vector<16xi32>,
      %gather3A_151 = tpu.vector_load_idx %arg7[%min3A_149] : memref<14336xf32, #tpu.memory_space<vmem>>[vector<16xi32>], vector<16xf32>,
      %ne3A_152 = arith.constant 0 : i32
      %ne3A_153 = vector.broadcast %ne3A_152 : i32 to vector<16xi32>
      %ne3A_154 = arith.cmpi ne, %gather3A_150, %ne3A_153 : vector<16xi32>
      %and3A_155 = arith.andi %lt3A_74, %ne3A_154 : vector<16xi1>
      %jit3A_156 = arith.constant 0.000000e+00 : f32
      %broadcast_in_dim3A_157 = vector.broadcast %jit3A_156 : f32 to vector<16xf32>
      %select_n3A_158 = arith.select %and3A_155, %gather3A_151, %broadcast_in_dim3A_157 : vector<16xi1>, vector<16xf32>
      %add3A_159 = arith.addf %add3A_134, %select_n3A_158 : vector<16xf32>
      %jit3A_160 = arith.constant 1 : i32
      %jit3A_161 = arith.constant 0 : i32
      %broadcast_in_dim3A_162 = vector.broadcast %jit3A_160 : i32 to vector<16xi32>
      %broadcast_in_dim3A_163 = vector.broadcast %jit3A_161 : i32 to vector<16xi32>
      %select_n3A_164 = arith.select %and3A_155, %broadcast_in_dim3A_162, %broadcast_in_dim3A_163 : vector<16xi1>, vector<16xi32>
      %add3A_165 = arith.addi %add3A_140, %select_n3A_164 : vector<16xi32>
      %mul3A_166 = arith.constant 56 : i32
      %mul3A_167 = arith.muli %scan3A_96, %mul3A_166 : i32
      %add3A_168 = arith.constant 48 : i32
      %add3A_169 = arith.addi %mul3A_167, %add3A_168 : i32
      %add3A_170 = vector.broadcast %add3A_169 : i32 to vector<16xi32>
      %add3A_171 = arith.addi %iota3A, %add3A_170 : vector<16xi32>
      %min3A_172 = arith.constant 14335 : i32
      %min3A_173 = vector.broadcast %min3A_172 : i32 to vector<16xi32>
      %min3A_174 = arith.minsi %add3A_171, %min3A_173 : vector<16xi32>
      %gather3A_175 = tpu.vector_load_idx %arg6[%min3A_174] : memref<14336xi32, #tpu.memory_space<vmem>>[vector<16xi32>], vector<16xi32>,
      %gather3A_176 = tpu.vector_load_idx %arg7[%min3A_174] : memref<14336xf32, #tpu.memory_space<vmem>>[vector<16xi32>], vector<16xf32>,
      %ne3A_177 = arith.constant 0 : i32
      %ne3A_178 = vector.broadcast %ne3A_177 : i32 to vector<16xi32>
      %ne3A_179 = arith.cmpi ne, %gather3A_175, %ne3A_178 : vector<16xi32>
      %and3A_180 = arith.andi %lt3A_81, %ne3A_179 : vector<16xi1>
      %jit3A_181 = arith.constant 0.000000e+00 : f32
      %broadcast_in_dim3A_182 = vector.broadcast %jit3A_181 : f32 to vector<16xf32>
      %select_n3A_183 = arith.select %and3A_180, %gather3A_176, %broadcast_in_dim3A_182 : vector<16xi1>, vector<16xf32>
      %add3A_184 = arith.addf %add3A_159, %select_n3A_183 : vector<16xf32>
      %jit3A_185 = arith.constant 1 : i32
      %jit3A_186 = arith.constant 0 : i32
      %broadcast_in_dim3A_187 = vector.broadcast %jit3A_185 : i32 to vector<16xi32>
      %broadcast_in_dim3A_188 = vector.broadcast %jit3A_186 : i32 to vector<16xi32>
      %select_n3A_189 = arith.select %and3A_180, %broadcast_in_dim3A_187, %broadcast_in_dim3A_188 : vector<16xi1>, vector<16xi32>
      %add3A_190 = arith.addi %add3A_165, %select_n3A_189 : vector<16xi32>
      %reduce_sum3A = arith.constant true
      %reduce_sum3A_191 = vector.broadcast %reduce_sum3A : i1 to vector<16xi1>
      %reduce_sum3A_192 = tpu.scan <sum>, %add3A_190 masked %reduce_sum3A_191 : vector<16xi32>, vector<16xi1> -> vector<16xi32>
      %reduce_sum3A_193 = vector.extract %reduce_sum3A_192[15] : i32 from vector<16xi32>
      %add3A_194 = vector.broadcast %reduce_sum3A_193 : i32 to vector<16xi32>
      %add3A_195 = arith.addi %broadcast_in_dim3A_57, %add3A_194 : vector<16xi32>
      %gather3A_196 = tpu.vector_load_idx %arg8[%add3A_195] : memref<64xf32, #tpu.memory_space<vmem>>[vector<16xi32>], vector<16xf32>,
      %reduce_sum3A_197 = arith.constant true
      %reduce_sum3A_198 = vector.broadcast %reduce_sum3A_197 : i1 to vector<16xi1>
      %reduce_sum3A_199 = tpu.scan <sum>, %add3A_184 masked %reduce_sum3A_198 : vector<16xf32>, vector<16xi1> -> vector<16xf32>
      %reduce_sum3A_200 = vector.extract %reduce_sum3A_199[15] : f32 from vector<16xf32>
      %add3A_201 = vector.broadcast %reduce_sum3A_200 : f32 to vector<16xf32>
      %add3A_202 = arith.addf %broadcast_in_dim3A_55, %add3A_201 : vector<16xf32>
      %mul3A_203 = arith.mulf %add3A_202, %gather3A_196 : vector<16xf32>
      %mul3A_204 = arith.constant 16 : i32
      %mul3A_205 = arith.muli %scan3A_96, %mul3A_204 : i32
      %add3A_206 = vector.broadcast %mul3A_205 : i32 to vector<16xi32>
      %add3A_207 = arith.addi %add3A_206, %iota3A : vector<16xi32>
      tpu.vector_store_idx %arg9[%add3A_207], %mul3A_203 : memref<4096xf32, #tpu.memory_space<vmem>>[vector<16xi32>], vector<16xf32>,
    }
    %scan3A_86 = arith.constant 256 : i32
    %mul3A_87 = arith.constant 4096 : i32
    %mul3A_88 = arith.muli %arg0, %mul3A_87 : i32
    %mul3A_89 = arith.constant 16 : i32
    %mul3A_90 = arith.muli %mul3A_88, %mul3A_89 : i32
    %mul3A_91 = arith.constant 256 : i32
    %mul3A_92 = arith.muli %arg1, %mul3A_91 : i32
    %mul3A_93 = arith.constant 16 : i32
    %mul3A_94 = arith.muli %mul3A_92, %mul3A_93 : i32
    %add3A_95 = arith.addi %mul3A_90, %mul3A_94 : i32
    "tpu.region"() ({
      %run_scoped3A = tpu.sem_alloc : memref<!tpu.dma_semaphore, #tpu.memory_space<semaphore_mem>>
      %dma_start3A_96 = tpu.memref_slice %arg5[%add3A_95] : memref<131072xf32, #tpu.memory_space<hbm>> -> memref<4096xf32, #tpu.memory_space<hbm>>
      %dma_start3A_97 = tpu.memref_slice %arg5[%add3A_95] : memref<131072xf32, #tpu.memory_space<hbm>> -> memref<4096xf32, #tpu.memory_space<hbm>>
      tpu.enqueue_dma source(%arg9 : memref<4096xf32, #tpu.memory_space<vmem>>) target(%dma_start3A_97 : memref<4096xf32, #tpu.memory_space<hbm>>) target_semaphore(%run_scoped3A : memref<!tpu.dma_semaphore, #tpu.memory_space<semaphore_mem>>)
      %dma_wait3A_98 = tpu.memref_slice %arg5[%add3A_95] : memref<131072xf32, #tpu.memory_space<hbm>> -> memref<4096xf32, #tpu.memory_space<hbm>>
      %dma_wait3A_99 = tpu.memref_slice %arg5[%add3A_95] : memref<131072xf32, #tpu.memory_space<hbm>> -> memref<4096xf32, #tpu.memory_space<hbm>>
      tpu.wait_dma2 semaphore(%run_scoped3A : memref<!tpu.dma_semaphore, #tpu.memory_space<semaphore_mem>>) src(%arg9 : memref<4096xf32, #tpu.memory_space<vmem>>) dst(%dma_wait3A_99 : memref<4096xf32, #tpu.memory_space<hbm>>)
      tpu.yield
    }) : () -> ()
    return
  }
}

module attributes {stable_mosaic.version = 14 : i64} {
  func.func @body(%arg0: i32, %arg1: memref<2x300xf32, #tpu.memory_space<vmem>>, %arg2: memref<300x6144xf32, #tpu.memory_space<vmem>>, %arg3: memref<2x6144xf32, #tpu.memory_space<vmem>>) attributes {dimension_semantics = [#tpu.dimension_semantics<arbitrary>], iteration_bounds = array<i64: 163>, scalar_prefetch = 0 : i64, scratch_operands = 0 : i64, tpu.core_type = #tpu.core_type<tc>, window_params = [{pipeline_mode = #tpu.pipeline_mode<synchronous>, transform_indices = @transform_0, window_bounds = array<i64: 2, 300>}, {transform_indices = @transform_1, window_bounds = array<i64: 300, 6144>}, {transform_indices = @transform_2, window_bounds = array<i64: 2, 6144>}]} {
    %get3A = arith.constant 0 : index
    %get3A_0 = arith.constant 0 : index
    %get3A_1 = vector.load %arg1[%get3A, %get3A_0] : memref<2x300xf32, #tpu.memory_space<vmem>>, vector<2x300xf32>
    %get3A_2 = arith.constant 0 : index
    %get3A_3 = arith.constant 0 : index
    %get3A_4 = vector.load %arg2[%get3A_2, %get3A_3] : memref<300x6144xf32, #tpu.memory_space<vmem>>, vector<300x6144xf32>
    %dot_general3A = arith.constant dense<0.000000e+00> : vector<2x6144xf32>
    %dot_general3A_5 = tpu.matmul %get3A_1, %get3A_4, %dot_general3A {dimension_numbers = #tpu.dot_dimension_numbers<[1], [0], [0], [1], [0, 0, 1, 1], [], []>, transpose_lhs_hint = false} : vector<2x300xf32>, vector<300x6144xf32>, vector<2x6144xf32> -> vector<2x6144xf32>
    %swap3A = arith.constant 0 : index
    %swap3A_6 = arith.constant 0 : index
    %swap3A_7 = vector.load %arg3[%swap3A, %swap3A_6] : memref<2x6144xf32, #tpu.memory_space<vmem>>, vector<2x6144xf32>
    tpu.vector_store %arg3[%swap3A, %swap3A_6], %dot_general3A_5 {strides = array<i32>} : memref<2x6144xf32, #tpu.memory_space<vmem>>, vector<2x6144xf32>,
    return
  }
  func.func @transform_0(%arg0: i32) -> (i32, i32) {
    %c0_i32 = arith.constant 0 : i32
    %c0_i32_0 = arith.constant 0 : i32
    %c0_i32_1 = arith.constant 0 : i32
    return %c0_i32, %c0_i32_0 : i32, i32
  }
  func.func @transform_1(%arg0: i32) -> (i32, i32) {
    %c0_i32 = arith.constant 0 : i32
    %c0_i32_0 = arith.constant 0 : i32
    return %c0_i32, %arg0 : i32, i32
  }
  func.func @transform_2(%arg0: i32) -> (i32, i32) {
    %c0_i32 = arith.constant 0 : i32
    %c0_i32_0 = arith.constant 0 : i32
    return %c0_i32, %arg0 : i32, i32
  }
}

</mosaic_0001>

<sc_bundles>
// kernel: kernel.4.cloned.1.call-start
scs
__scs_entry_jumppad:
0x0: {  	(pc) =	sbr.rel $0x88, $3  }
0x1: {  	(tag) =	ssettag $0x0;
	lr =	simm.s32 $0x1  }
0x2: {  	[smem:$0x3F9C] =	sst lr;
	_ =	strace $0xD0000000  }
0x3: {  	_ = 	snop  }
0x4: {  	_ = 	snop  }
0x5: {  	_ = 	snop  }
0x6: {  	_ = 	snop  }
0x7: {  	_ = 	snop  }
__scs_overlays_trampoline_lowered:
0x8: {  	[smem:$0x3FAB] =	sst s0  }
0x9: {  	[smem:$0x3FAC] =	sst s1  }
0xa: {  	[smem:$0x3FAD] =	sst s2  }
0xb: {  	[smem:$0x3FAE] =	sst s3  }
0xc: {  	[smem:$0x3FAF] =	sst s4  }
0xd: {  	[smem:$0x3FB0] =	sst s5  }
0xe: {  	[smem:$0x3FB1] =	sst s6  }
0xf: {  	[smem:$0x3FB2] =	sst s7  }
0x10: {  	[smem:$0x3FB3] =	sst s8  }
0x11: {  	[smem:$0x3FB4] =	sst s9;
	s0 =	simm.s32 @!p0 $0x0  }
0x12: {  	s1 =	sld [smem:$0x3F9A];
	s0 =	simm.s32 @p0 $0x1  }
0x13: {  	[smem:$0x3FB5] =	sst s0;
	s0 =	simm.s32 @!p1 $0x0  }
0x14: {  	s2 =	sld [smem:$0x3F99];
	s0 =	simm.s32 @p1 $0x1  }
0x15: {  	[smem:$0x3FB6] =	sst s0;
	s0 =	simm.s32 @!p2 $0x0  }
0x16: {  	s3 =	sld [smem:$0x3FDB];
	s0 =	simm.s32 @p2 $0x1  }
0x17: {  	s4 =	simm.s32 $0x1BF5;
	[smem:$0x3FB8] =	sst s0  }
0x18: {  	s0 =	sld [smem:$0x3F9B];
	_ =	swait.ge [sflag:s4], $0x0  }
0x19: {  	s7 =	sld [smem:$0x3F9C]  }
0x1a: {  	s8 =	sadd.s32 $0xFFFFE003, lr  }
0x1b: {  	s9 =	sadd.s32 $0xFFFFFEF7, lr;
	s5 =	simm.s32 $0xFFFFFFFF;
	p2 =	slt.u32 s8, $0xFFFFF086  }
0x1c: {  	p1 =	slt.u32 s9, $0xF7A;
	s5 =	simm.s32 @!p2 $0x0  }
0x1d: {  	s5 =	simm.s32 @p1 $0x1;
	p0 =	seq.s32 s7, s2  }
0x1e: {  	s7 =	smul.u32 @!p0 $0xF7A, s2;
	p2 =	seq.s32 @!p0 s5, $0x0  }
0x1f: {  	s9 =	smul.u32 $0xF7A, s1;
	s8 =	simm.s32 @!p0 $0x1BF5;
	p2 =	por !p2, p0  }
0x20: {  	[sflag:s8] =	ssyncset.s32 @!p0 $0xFFFFF086;
	s6 =	sadd.s32 @!p0 s3, s7;
	s7 =	simm.s32 @!p0 $0x108  }
0x21: {  	s3 =	sadd.s32 s3, s9;
	s6 =	sadd.s32 @!p0 $0x88, s6;
	s7 =	simm.s32 @p2 $0x1082  }
0x22: {  	[simem:s7], [sflag:s8] =	dma.local @!p0 [hbm:s6], $0xF7A  }
0x23: {  	s9 =	sor.u32 $0xD0000000, s2;
	s6 =	simm.s32 $0x108;
	_ =	swait.ge @!p0 [sflag:s8], $0x0  }
0x24: {  	s3 =	sadd.s32 $0x88, s3;
	s6 =	simm.s32 @!p1 $0x1082;
	[sflag:s4] =	ssyncset.s32 $0xFFFFF086  }
0x25: {  	[simem:s6], [sflag:s4] =	dma.local [hbm:s3], $0xF7A  }
0x26: {  	[smem:$0x3F9C] =	sst s1;
	(tag) =	ssettag s2;
	_ =	strace s9  }
0x27: {  	s1 =	sld [smem:$0x3FAC]  }
0x28: {  	s2 =	sld [smem:$0x3FAD]  }
0x29: {  	s4 =	sld [smem:$0x3FAF]  }
0x2a: {  	p0 =	seq.s32 s5, $0x0;
	s5 =	sld [smem:$0x3FB0]  }
0x2b: {  	s6 =	sld [smem:$0x3FB1]  }
0x2c: {  	s7 =	sld [smem:$0x3FB2]  }
0x2d: {  	s3 =	simm.s32 $0x108;
	s8 =	sld [smem:$0x3FB3]  }
0x2e: {  	s3 =	simm.s32 @!p0 $0x1082;
	s9 =	sld [smem:$0x3FB4]  }
0x2f: {  	lr =	sadd.s32 s0, s3;
	s0 =	sld [smem:$0x3FAB]  }
0x30: {  	s3 =	sld [smem:$0x3FAE]  }
0x31: {  	[smem:$0x3FB7] =	sst s10  }
0x32: {  	s10 =	sld [smem:$0x3FB5];
	_ =	sdelay $0x3  }
0x33: {  	p0 =	seq.s32 s10, $0x1;
	s10 =	sld [smem:$0x3FB7];
	_ =	sdelay $0x3  }
0x34: {  	[smem:$0x3FB7] =	sst s10  }
0x35: {  	s10 =	sld [smem:$0x3FB6];
	_ =	sdelay $0x3  }
0x36: {  	p1 =	seq.s32 s10, $0x1;
	s10 =	sld [smem:$0x3FB7];
	_ =	sdelay $0x3  }
0x37: {  	[smem:$0x3FB7] =	sst s10  }
0x38: {  	s10 =	sld [smem:$0x3FB8]  }
0x39: {  	_ = 	snop;
	(pc) =	sbr.ind lr, $3  }
0x3a: {  	_ = 	snop  }
0x3b: {  	_ = 	snop  }
0x3c: {  	p2 =	seq.s32 s10, $0x1;
	s10 =	sld [smem:$0x3FB7]  }
0x3d: {  	_ =	shalt  }
0x3e: {  	_ =	shalt  }
0x3f: {  	_ =	shalt  }
0x40: {  	_ =	shalt  }
0x41: {  	_ =	shalt  }
0x42: {  	_ =	shalt  }
0x43: {  	_ =	shalt  }
0x44: {  	_ =	shalt  }
0x45: {  	_ =	shalt  }
0x46: {  	_ =	shalt  }
0x47: {  	_ =	shalt  }
0x48: {  	_ =	shalt  }
0x49: {  	_ =	shalt  }
0x4a: {  	_ =	shalt  }
0x4b: {  	_ =	shalt  }
0x4c: {  	_ =	shalt  }
0x4d: {  	_ =	shalt  }
0x4e: {  	_ =	shalt  }
0x4f: {  	_ =	shalt  }
0x50: {  	_ =	shalt  }
0x51: {  	_ =	shalt  }
0x52: {  	_ =	shalt  }
0x53: {  	_ =	shalt  }
0x54: {  	_ =	shalt  }
0x55: {  	_ =	shalt  }
0x56: {  	_ =	shalt  }
0x57: {  	_ =	shalt  }
0x58: {  	_ =	shalt  }
0x59: {  	_ =	shalt  }
0x5a: {  	_ =	shalt  }
0x5b: {  	_ =	shalt  }
0x5c: {  	_ =	shalt  }
0x5d: {  	_ =	shalt  }
0x5e: {  	_ =	shalt  }
0x5f: {  	_ =	shalt  }
0x60: {  	_ =	shalt  }
0x61: {  	_ =	shalt  }
0x62: {  	_ =	shalt  }
0x63: {  	_ =	shalt  }
0x64: {  	_ =	shalt  }
0x65: {  	_ =	shalt  }
0x66: {  	_ =	shalt  }
0x67: {  	_ =	shalt  }
0x68: {  	_ =	shalt  }
0x69: {  	_ =	shalt  }
0x6a: {  	_ =	shalt  }
0x6b: {  	_ =	shalt  }
0x6c: {  	_ =	shalt  }
0x6d: {  	_ =	shalt  }
0x6e: {  	_ =	shalt  }
0x6f: {  	_ =	shalt  }
0x70: {  	_ =	shalt  }
0x71: {  	_ =	shalt  }
0x72: {  	_ =	shalt  }
0x73: {  	_ =	shalt  }
0x74: {  	_ =	shalt  }
0x75: {  	_ =	shalt  }
0x76: {  	_ =	shalt  }
0x77: {  	_ =	shalt  }
0x78: {  	_ =	shalt  }
0x79: {  	_ =	shalt  }
0x7a: {  	_ =	shalt  }
0x7b: {  	_ =	shalt  }
0x7c: {  	_ =	shalt  }
0x7d: {  	_ =	shalt  }
0x7e: {  	_ =	shalt  }
0x7f: {  	_ =	shalt  }
0x80: {  	_ =	shalt  }
0x81: {  	_ =	shalt  }
0x82: {  	_ =	shalt  }
0x83: {  	_ =	shalt  }
0x84: {  	_ =	shalt  }
0x85: {  	_ =	shalt  }
0x86: {  	_ =	shalt  }
0x87: {  	_ =	shalt  }
.Lfunc_end0:
.L_simem_size_0:
called_computation_lowered:
.L_overlay_start_0:
0x88: {  	s2 =	sld [smem:$0x3FD9]  }
0x89: {  	s3 =	sld [smem:$0x3FFE];
	_ =	sdelay $0x1  }
0x8a: {  	s1 =	srdreg.scid  }
0x8b: {  	s0 =	sand.u32 $0x1, s1  }
0x8c: {  	s17 =	sshll.u32 s0, $0xA;
	s2 =	sadd.s32 s3, s2  }
0x8d: {  	s2 =	sadd.s32 s2, s17  }
0x8e: {  	[smem:$0x3FC3] =	sst s2  }
0x8f: {  	_ = 	snop  }
0x90: {  	s2 =	sld [smem:$0x3FD0];
	(tm) =	ssettm $0x1  }
0x91: {  	s18 =	sld [smem:$0x3FFB];
	_ =	sdelay $0x3  }
0x92: {  	_ =	strace s18  }
0x93: {  	s3 =	sld [smem:$0x3FFC];
	_ =	sdelay $0x3  }
0x94: {  	_ =	strace s3  }
0x95: {  	s3 =	sld [smem:$0x3FFD];
	_ =	sdelay $0x3  }
0x96: {  	_ =	strace s3  }
0x97: {  	_ =	strace $0x8FFFFFFF  }
0x98: {  	s19 =	sld [smem:$0x3FDB];
	_ =	sdelay $0x1  }
0x99: {  	s4 =	simm.s32 $_scs_section_size  }
0x9a: {  	s5 =	simm.s32 $_size__tile_overlayer_lowered;
	s6 =	simm.s32 $_tile_overlayer_lowered  }
0x9b: {  	s22 =	simm.s32 $0x1BFF;
	s21 =	sshll.u32 s6, $0x1;
	s3 =	sadd.s32 s4, s19  }
0x9c: {  	s7 =	simm.s32 $0x0;
	s20 =	sshll.u32 s5, $0x1;
	s5 =	sadd.s32 s21, s3  }
0x9d: {  	[timem:s7], [sflag:s22] =	dma.local [hbm:s5], s20  }
0x9e: {  	_ =	swait.ge [sflag:s22], s20  }
0x9f: {  	s4 =	ssub.s32 $0x0, s20;
	[sflag:s22] =	ssyncset.done $0x0  }
0xa0: {  	[sflag:s22] =	ssyncadd.s32 s4;
	_ =	sdelay $0x1  }
0xa1: {  	s23 =	simm.s32 $0x1B8B  }
0xa2: {  	_ =	swait.ge [sflag:s23], $0x1  }
0xa3: {  	[sflag:s23] =	ssyncset.done $0x0  }
0xa4: {  	s25 =	simm.s32 $0x1B8E;
	s24 =	sld [smem:$0x3FFE];
	[sflag:s23] =	ssyncadd.s32 $0xFFFFFFFF  }
0xa5: {  	s26 =	simm.s32 $execute0_lowered;
	[smem:$0x3FD2] =	sst s25  }
0xa6: {  	s5 =	sshll.u32 s26, $0x1;
	_ =	strace $0x80000046;
	[dreg:$0x1] =	wrdreg $0xFFFFFFFF  }
0xa7: {  	s28 =	simm.s32 $_size_execute0_lowered;
	s3 =	sadd.s32 s3, s5;
	[dreg:$0x0] =	wrdreg $0x0  }
0xa8: {  	s5 =	sshll.u32 s28, $0x1;
	[dreg:$0x2] =	wrdreg s3  }
0xa9: {  	[dreg:$0x3] =	wrdreg s5  }
0xaa: {  	[dreg:$0x4] =	wrdreg $0xC0  }
0xab: {  	_ =	task [dreg:s7], $0x5FFFF  }
0xac: {  	[dreg:$0x1] =	wrdreg $0xFFFFFFFF  }
0xad: {  	[dreg:$0x0] =	wrdreg $0x60  }
0xae: {  	[dreg:$0x2] =	wrdreg s24  }
0xaf: {  	[dreg:$0x3] =	wrdreg s2  }
0xb0: {  	[dreg:$0x4] =	wrdreg $0x80400  }
0xb1: {  	[dreg:$0x5] =	wrdreg $0x9  }
0xb2: {  	_ =	task.clear_ibuf [dreg:s7], $0x6FFFF;
	_ =	strace $0x90000046  }
0xb3: {  	s29 =	simm.s32 $0x9;
	_ =	strace $0x80000048  }
0xb4: {  	_ =	swait.ge [sflag:s29], $0x1  }
0xb5: {  	[sflag:s29] =	ssyncadd.s32 $0xFFFFFFFF  }
0xb6: {  	_ =	strace $0x90000048  }
0xb7: {  	_ =	sfence  }
0xb8: {  	s30 =	sld [smem:$0x0];
	_ =	sdelay $0x2  }
0xb9: {  	s31 =	sshll.u32 s1, $0xD;
	s1 =	sshrl.u32 s1, $0x2  }
0xba: {  	s3 =	sand.u32 $0x4000, s31;
	s1 =	sadd.s32 s1, s30  }
0xbb: {  	s0 =	sor.u32 s3, s0;
	s1 =	sshll.u32 s1, $0x11  }
0xbc: {  	s0 =	sor.u32 s1, s0  }
0xbd: {  	s0 =	sadd.s32 $0x8F2B, s0  }
0xbe: {  	[sflag:s0] =	ssyncadd.remote.s32 $0x1  }
0xbf: {  	_ =	sfence.sel $0xFFFF  }
0xc0: {  	[dreg:$0x0] =	wrdreg $0xFFFFFFFF;
	(pc) =	sbr.abs _section_cstart, $3  }
0xc1: {  	[dreg:$0x1] =	wrdreg $0xFFFFFFFF  }
0xc2: {  	_ =	task.clear_ibuf [dreg:s7], $0x2FFFF;
	_ =	strace $0x9FFFFFFF  }
0xc3: {  	(tm) =	ssettm $0x7FFFFFFF  }
tec
execute0_lowered:
.L_overlay_start_1:
0x0: {  	(tag) =	ssettag $0x1  }
0x1: {  	s5 =	rddreg [dreg:$0x0]  }
0x2: {  	s2 =	rddreg [dreg:$0x1]  }
0x3: {  	s3 =	rddreg [dreg:$0x2]  }
0x4: {  	s0 =	srdreg.scid;
	s1 =	rddreg [dreg:$0x3]  }
0x5: {  	s4 =	simm.s32 $0x0;
	s16 =	simm.s32 $0x3800;
	s17 =	simm.s32 $0x4600  }
0x6: {  	s18 =	simm.s32 $0x1C00;
	s19 =	simm.s32 $0x5400;
	s20 =	simm.s32 $0x2A00  }
0x7: {  	s21 =	simm.s32 $0x6200;
	s22 =	simm.s32 $0x1;
	s6 =	sand.u32 $0x1, s0  }
0x8: {  	s28 =	simm.s32 $0x0;
	s0 =	stileid.u32;
	s7 =	smul.u32 $0x38000, s6  }
0x9: {  	[smem:$0x7FF] =	sst s4;
	s13 =	sadd.s32 $0x600, s5;
	s8 =	smul.u32 $0x3800, s0  }
0xa: {  	s15 =	sadd.s32 $0xF4200, s3;
	_ =	strace $0x80000047;
	s9 =	smul.u32 $0xF4240, s6  }
0xb: {  	s23 =	ssub.s32 $0x2, s6;
	s10 =	sshll.u32 s0, $0x9;
	s12 =	smul.u32 $0xF420, s0  }
0xc: {  	s26 =	sshll.u32 s6, $0xD;
	p0 =	sne.s32 s0, $0xF;
	s31 =	sshll.u32 s0, $0x6  }
0xd: {  	s11 =	sshrl.u32 s23, $0x1;
	s10 =	sadd.s32 s10, s5;
	s7 =	sadd.s32 s8, s7  }
0xe: {  	s11 =	ssub.s32 s23, s11;
	s24 =	sadd.s32 s12, s9;
	s14 =	sadd.s32 s12, s3  }
0xf: {  	s25 =	sshrl.u32 s9, $0x3;
	s30 =	sadd.s32 s26, s10;
	s10 =	simm.s32 $0x7000  }
0x10: {  	s12 =	sor.u32 $0x1C05, s31;
	s23 =	simm.s32 $0x2;
	s26 =	simm.s32 $0x7040  }
0x11: {  	s7 =	sshrl.u32 s7, $0x3;
	s29 =	sadd.s32 s13, s25;
	s8 =	sadd.s32 $0x4B800, s30  }
0x12: {  	s9 =	smax.u32 s11, $0x1;
	s11 =	simm.s32 $0x5;
	s7 =	sadd.s32 s7, s5  }
0x13: {  	s25 =	simm.s32 $0x4;
	s5 =	sadd.s32 $0x3D800, s7;
	s7 =	sshrl.u32 s24, $0x3  }
0x14: {  	s24 =	simm.s32 $0x3;
	s6 =	sadd.s32 s13, s7;
	s7 =	sadd.s32 $0x1E840, s29  }
0x15: {  	v0 =	vlaneseq.u32;
	v1 =	vimm.s32 $0x0;
	vm0 =	vmmov $0xff;
	s13 =	sshrl.u32 s14, $0x3;
	s14 =	sshrl.u32 @!p0 s15, $0x3;
	s15 =	simm.s32 $0xE00  }
.LBB2_1:
0x16: {  	[tilespmem:s10], [sflag:$0x5] =	stream.linear.gather [hbm4b:s2+s4], $0x40, $0x38;
	[tilespmem:$0x17468] =	vst v63  }
0x17: {  	_ =	swait.ge [sflag:s11], $0x40  }
0x18: {  	[sflag:s11] =	ssyncset.done $0x0  }
0x19: {  	[sflag:s11] =	ssyncadd.s32 $0xFFFFFFC0  }
0x1a: {  	[tilespmem:s4], [sflag:$0x5] =	stream.linear.gather [hbm4b:s5+s4], $0x3800, $0x38;
	[tilespmem:$0x17468] =	vst v63  }
0x1b: {  	_ =	swait.ge [sflag:s11], $0x3800  }
0x1c: {  	[sflag:s11] =	ssyncset.done $0x0  }
0x1d: {  	[sflag:s11] =	ssyncadd.s32 $0xFFFFC800  }
0x1e: {  	[spmem:s13], [sflag:s12] =	dma.local [hbm:s6], $0x1E84  }
0x1f: {  	_ =	swait.ge [sflag:s11], $0x1E84  }
0x20: {  	[sflag:s11] =	ssyncset.done $0x0  }
0x21: {  	s29 =	simm.s32 @!p0 $0x5;
	[sflag:s11] =	ssyncadd.s32 $0xFFFFE17C  }
0x22: {  	[spmem:s14], [sflag:s12] =	dma.local @!p0 [hbm:s7], $0x8  }
0x23: {  	_ =	swait.ge @!p0 [sflag:s29], $0x8  }
0x24: {  	[sflag:s29] =	ssyncset.done @!p0 $0x0  }
0x25: {  	[sflag:s29] =	ssyncadd.s32 @!p0 $0xFFFFFFF8  }
0x26: {  	[bflag:$0x0] =	sbarrier.arrive $0xFFFF  }
0x27: {  	[tilespmem:s16], [sflag:$0x1] =	stream.indirect.gather [spmem:s3], $0x1, s4, s15, $0xb8;
	[tilespmem:$0x17468] =	vst v63  }
0x28: {  	_ = 	snop  }
0x29: {  	[tilespmem:s17], [sflag:$0x2] =	stream.indirect.gather [spmem:s3], $0x1, s15, s15, $0xb8;
	[tilespmem:$0x17468] =	vst v63  }
0x2a: {  	_ = 	snop  }
0x2b: {  	[tilespmem:s19], [sflag:$0x3] =	stream.indirect.gather [spmem:s3], $0x1, s18, s15, $0xb8;
	[tilespmem:$0x17468] =	vst v63  }
0x2c: {  	_ = 	snop  }
0x2d: {  	[tilespmem:s21], [sflag:$0x4] =	stream.indirect.gather [spmem:s3], $0x1, s20, s15, $0xb8;
	[tilespmem:$0x17468] =	vst v63  }
0x2e: {  	_ =	swait.ge [sflag:s22], $0xE00  }
0x2f: {  	[sflag:s22] =	ssyncset.done $0x0  }
0x30: {  	[sflag:s22] =	ssyncadd.s32 $0xFFFFF200  }
0x31: {  	_ =	swait.ge [sflag:s23], $0xE00  }
0x32: {  	s29 =	simm.s32 $0x0;
	[sflag:s23] =	ssyncset.done $0x0  }
0x33: {  	s30 =	simm.s32 $0x30;
	v2 =	vadd.s32 s29, v0;
	[sflag:s23] =	ssyncadd.s32 $0xFFFFF200  }
0x34: {  	v3 =	vadd.s32 s30, v0;
	vm1 =	vlt.s32 v2, $0x37FF;
	_ =	swait.ge [sflag:s24], $0xE00  }
0x35: {  	vm2 =	vlt.s32 v3, $0x37FF;
	s29 =	simm.s32 $0x10;
	v2 =	vnsel vm1, $0x37FF, v2;
	[sflag:s24] =	ssyncset.done $0x0  }
0x36: {  	v3 =	vnsel vm2, $0x37FF, v3;
	v4 =	vadd.s32 s29, v0;
	s29 =	simm.s32 $0x20;
	[sflag:s24] =	ssyncadd.s32 $0xFFFFF200  }
0x37: {  	vm1 =	vlt.s32 v4, $0x37FF;
	v5 =	vadd.s32 s29, v0;
	_ =	swait.ge [sflag:s25], $0xE00  }
0x38: {  	v4 =	vnsel vm1, $0x37FF, v4;
	vm1 =	vlt.s32 v5, $0x37FF;
	[sflag:s25] =	ssyncset.done $0x0  }
0x39: {  	v5 =	vnsel vm1, $0x37FF, v5;
	[sflag:s25] =	ssyncadd.s32 $0xFFFFF200  }
0x3a: {  	v6 =	vld.idx.msk [tilespmem:v2+s16+$0x0], $0xffff  }
0x3b: {  	v7 =	vld.idx.msk [tilespmem:v3+s4+$0x0], $0xffff  }
0x3c: {  	v2 =	vld.idx.msk [tilespmem:v2+s4+$0x0], $0xffff  }
0x3d: {  	v8 =	vld.idx.msk [tilespmem:v4+s4+$0x0], $0xffff  }
0x3e: {  	v9 =	vld.idx.msk [tilespmem:v5+s4+$0x0], $0xffff  }
0x3f: {  	v4 =	vld.idx.msk [tilespmem:v4+s16+$0x0], $0xffff;
	_ =	sdelay $0x1  }
0x40: {  	v5 =	vld.idx.msk [tilespmem:v5+s16+$0x0], $0xffff  }
0x41: {  	v6 =	vadd.f32 $0.0e+00, v6;
	vm1 =	vne.s32 v2, $0x0  }
0x42: {  	vm2 =	vne.s32 v8, $0x0;
	v2 =	vld.idx.msk [tilespmem:v3+s16+$0x0], $0xffff;
	vm3 =	vne.s32 v7, $0x0;
	vm4 =	vne.s32 v9, $0x0  }
0x43: {  	v4 =	vnsel vm2, $0x0, v4;
	vm3 =	vmand vm3, vm0;
	v3 =	vnsel vm1, $0x0, v6  }
0x44: {  	v6 =	vsel vm2, $0x1, v1;
	v3 =	vadd.f32 v4, v3;
	v4 =	vsel vm1, $0x1, v1  }
0x45: {  	v5 =	vnsel vm4, $0x0, v5;
	v7 =	vsel vm4, $0x1, v1;
	v4 =	vadd.s32 v4, v6  }
0x46: {  	v3 =	vadd.f32 v5, v3;
	v4 =	vadd.s32 v7, v4;
	v5 =	vsel vm3, $0x1, v1  }
0x47: {  	v2 =	vnsel vm3, $0x0, v2;
	v4 =	vadd.s32 v5, v4  }
0x48: {  	v2 =	vadd.f32 v2, v3;
	(xrf0) =	vadd.scan.msk.s32 $0xffff, v4;
	_ =	sdelay $0x1  }
0x49: {  	(xrf2) =	vadd.scan.msk.f32 $0xffff, v2;
	_ =	sdelay $0x3  }
0x4a: {  	v2, _, _ =	vpop (xrf0)  }
0x4b: {  	v2 =	vbroadcast v2, $0xF;
	_ =	sdelay $0x2  }
0x4c: {  	s30 =	simm.s32 $0x38  }
0x4d: {  	v4 =	vadd.s32 s30, v0  }
0x4e: {  	vm1 =	vlt.s32 v4, $0x37FF;
	v3, _, _ =	vpop (xrf2)  }
0x4f: {  	v7 =	vadd.f32 $0.0e+00, v3;
	v3 =	vnsel vm1, $0x37FF, v4;
	v4 =	vld.idx.msk [tilespmem:v2+s10+$0x0], $0xffff  }
0x50: {  	s29 =	simm.s32 $0x68  }
0x51: {  	v8 =	vadd.s32 s29, v0;
	s29 =	simm.s32 $0x58;
	v5 =	vor.u32 s4, v0  }
0x52: {  	vm2 =	vlt.s32 v8, $0x37FF;
	v6 =	vadd.s32 s29, v0;
	v7 =	vbroadcast v7, $0xF  }
0x53: {  	s31 =	simm.s32 $0x48;
	s29 =	simm.s32 $0x0;
	s30 =	simm.s32 $0xA0;
	vm1 =	vlt.s32 v6, $0x37FF;
	v2 =	vnsel vm2, $0x37FF, v8  }
.LBB2_2:
0x54: {  	p1 =	sne.s32 s30, $0x37F8;
	v8 =	vadd.s32 s31, v0;
	v6 =	vnsel vm1, $0x37FF, v6;
	v4 =	vmul.f32 v7, v4  }
0x55: {  	vm1 =	vlt.s32 v8, $0x37FF  }
0x56: {  	v7 =	vnsel vm1, $0x37FF, v8;
	[tilespmem:v5+s26+$0x0] =	vst.idx.msk $0xffff, v4  }
0x57: {  	v4 =	vld.idx.msk [tilespmem:v3+s16+$0x0], $0xffff  }
0x58: {  	v5 =	vld.idx.msk [tilespmem:v2+s4+$0x0], $0xffff  }
0x59: {  	v8 =	vld.idx.msk [tilespmem:v6+s4+$0x0], $0xffff  }
0x5a: {  	v3 =	vld.idx.msk [tilespmem:v3+s4+$0x0], $0xffff  }
0x5b: {  	v9 =	vld.idx.msk [tilespmem:v7+s4+$0x0], $0xffff;
	_ =	sdelay $0x1  }
0x5c: {  	v7 =	vld.idx.msk [tilespmem:v7+s16+$0x0], $0xffff;
	_ =	sdelay $0x1  }
0x5d: {  	vm1 =	vne.s32 v5, $0x0;
	v6 =	vld.idx.msk [tilespmem:v6+s16+$0x0], $0xffff  }
0x5e: {  	v4 =	vadd.f32 $0.0e+00, v4;
	vm1 =	vmand vm1, vm0  }
0x5f: {  	vm4 =	vne.s32 v8, $0x0;
	vm2 =	vne.s32 v3, $0x0;
	vm3 =	vne.s32 v9, $0x0;
	v2 =	vld.idx.msk [tilespmem:v2+s16+$0x0], $0xffff  }
0x60: {  	v8 =	vsel vm4, $0x1, v1;
	v3 =	vsel vm2, $0x1, v1;
	v5 =	vsel vm3, $0x1, v1  }
0x61: {  	v4 =	vnsel vm2, $0x0, v4;
	v7 =	vnsel vm3, $0x0, v7;
	v3 =	vadd.s32 v3, v5  }
0x62: {  	v5 =	vsel vm1, $0x1, v1;
	v4 =	vadd.f32 v7, v4;
	v3 =	vadd.s32 v8, v3  }
0x63: {  	v6 =	vnsel vm4, $0x0, v6;
	v3 =	vadd.s32 v5, v3  }
0x64: {  	v4 =	vadd.f32 v6, v4;
	(xrf0) =	vadd.scan.msk.s32 $0xffff, v3  }
0x65: {  	v2 =	vnsel vm1, $0x0, v2  }
0x66: {  	v2 =	vadd.f32 v2, v4;
	_ =	sdelay $0x1  }
0x67: {  	(xrf2) =	vadd.scan.msk.f32 $0xffff, v2;
	_ =	sdelay $0x1  }
0x68: {  	v2, _, _ =	vpop (xrf0)  }
0x69: {  	v2 =	vbroadcast v2, $0xF;
	_ =	sdelay $0x5  }
0x6a: {  	v4 =	vld.idx.msk [tilespmem:v2+s10+$0x0], $0xffff  }
.Ltmp0:
0x6b: {  	s31 =	sadd.s32 $0xFFFFFFD0, s30;
	v2, _, _ =	vpop (xrf2);
	(pc) =	sbr.rel @p1 .LBB2_2-.Ltmp0, $4  }
0x6c: {  	s29 =	sadd.s32 $0x10, s29;
	v8 =	vadd.s32 s30, v0;
	v3 =	vadd.s32 s31, v0;
	v2 =	vadd.f32 $0.0e+00, v2  }
0x6d: {  	vm2 =	vlt.s32 v8, $0x37FF;
	v5 =	vor.u32 s29, v0;
	s31 =	sadd.s32 $0xFFFFFFF0, s30;
	vm1 =	vlt.s32 v3, $0x37FF  }
0x6e: {  	v6 =	vadd.s32 s31, v0;
	v3 =	vnsel vm1, $0x37FF, v3;
	v7 =	vbroadcast v2, $0xF  }
0x6f: {  	s31 =	sadd.s32 $0xFFFFFFE0, s30;
	s30 =	sadd.s32 $0x38, s30;
	vm1 =	vlt.s32 v6, $0x37FF;
	v2 =	vnsel vm2, $0x37FF, v8  }
0x70: {  	_ =	sdelay $0x1  }
0x71: {  	v8 =	vadd.s32 s31, v0;
	v4 =	vmul.f32 v7, v4  }
0x72: {  	v6 =	vnsel vm1, $0x37FF, v6;
	vm1 =	vlt.s32 v8, $0x37FF  }
0x73: {  	v59 =	vnsel vm1, $0x37FF, v8;
	[tilespmem:v5+s26+$0x0] =	vst.idx.msk $0xffff, v4  }
0x74: {  	v4 =	vld.idx.msk [tilespmem:v3+s16+$0x0], $0xffff  }
0x75: {  	v5 =	vld.idx.msk [tilespmem:v2+s4+$0x0], $0xffff  }
0x76: {  	v3 =	vld.idx.msk [tilespmem:v3+s4+$0x0], $0xffff  }
0x77: {  	v60 =	vld.idx.msk [tilespmem:v6+s4+$0x0], $0xffff  }
0x78: {  	v9 =	vld.idx.msk [tilespmem:v59+s4+$0x0], $0xffff  }
0x79: {  	v7 =	vld.idx.msk [tilespmem:v59+s16+$0x0], $0xffff;
	_ =	sdelay $0x1  }
0x7a: {  	v6 =	vld.idx.msk [tilespmem:v6+s16+$0x0], $0xffff;
	vm1 =	vne.s32 v5, $0x0  }
0x7b: {  	v4 =	vadd.f32 $0.0e+00, v4;
	vm2 =	vne.s32 v3, $0x0;
	vm1 =	vmand vm1, vm0  }
0x7c: {  	v2 =	vld.idx.msk [tilespmem:v2+s16+$0x0], $0xffff;
	v3 =	vsel vm2, $0x1, v1;
	vm4 =	vne.s32 v60, $0x0;
	vm3 =	vne.s32 v9, $0x0  }
0x7d: {  	v4 =	vnsel vm2, $0x0, v4;
	v61 =	vsel vm3, $0x1, v1;
	v7 =	vnsel vm3, $0x0, v7  }
0x7e: {  	v8 =	vsel vm4, $0x1, v1;
	v3 =	vadd.s32 v3, v61;
	v4 =	vadd.f32 v7, v4  }
0x7f: {  	v62 =	vsel vm1, $0x1, v1;
	v6 =	vnsel vm4, $0x0, v6;
	v3 =	vadd.s32 v8, v3  }
0x80: {  	v3 =	vadd.s32 v62, v3;
	v4 =	vadd.f32 v6, v4  }
0x81: {  	v2 =	vnsel vm1, $0x0, v2;
	(xrf0) =	vadd.scan.msk.s32 $0xffff, v3  }
0x82: {  	v2 =	vadd.f32 v2, v4;
	_ =	sdelay $0x1  }
0x83: {  	(xrf2) =	vadd.scan.msk.f32 $0xffff, v2;
	_ =	sdelay $0x2  }
0x84: {  	v2, _, _ =	vpop (xrf0)  }
0x85: {  	v2 =	vbroadcast v2, $0xF;
	_ =	sdelay $0x5  }
0x86: {  	v2 =	vld.idx.msk [tilespmem:v2+s10+$0x0], $0xffff;
	v3, _, _ =	vpop (xrf2)  }
0x87: {  	s29 =	sadd.s32 $0x10, s29;
	v3 =	vadd.f32 $0.0e+00, v3  }
0x88: {  	v63 =	vor.u32 s29, v0  }
0x89: {  	v3 =	vbroadcast v3, $0xF;
	_ =	sdelay $0x1  }
0x8a: {  	s28 =	sadd.s32 $0x1, s28;
	v2 =	vmul.f32 v3, v2  }
0x8b: {  	p1 =	sne.s32 s28, s9  }
.Ltmp1:
0x8c: {  	[tilespmem:v63+s26+$0x0] =	vst.idx.msk $0xffff, v2;
	(pc) =	sbr.rel @p1 .LBB2_1-.Ltmp1, $4  }
0x8d: {  	[hbm4b:s8+s4] =	stream.linear.scatter [tilespmem:s26], [sflag:$0x5], $0x1000, $0x38;
	[tilespmem:$0x17468] =	vst v63  }
0x8e: {  	_ =	swait.ge [sflag:s11], $0x1000  }
0x8f: {  	[sflag:s11] =	ssyncset.done $0x0  }
0x90: {  	[sflag:s11] =	ssyncadd.s32 $0xFFFFF000  }
0x91: {  	_ =	sfence.sel $0x180000  }
0x92: {  	[bflag:$0x0] =	sbarrier.arrive $0xFFFF  }
0x93: {  	p0 =	sne.s32 s0, $0x0;
	_ =	strace $0x90000047  }
0x94: {  	s0 =	sadd.s32 @!p0 $0x100000, s1;
	[bflag:$0x2] =	sbarrier.arrive $0xFFFF  }
0x95: {  	[sflag:s0] =	ssyncadd.tile.s32 @!p0 $0x1;
	_ =	shalt  }
.Lfunc_end2:
_tile_overlayer_lowered:
.L_overlay_start_2:
0x96: {  	(tag) =	ssettag $0x2  }
0x97: {  	s0 =	rddreg [dreg:$0x0];
	s2 =	stileid.u32  }
0x98: {  	s1 =	rddreg [dreg:$0x1];
	p0 =	sne.s32 s2, $0x0  }
0x99: {  	s3 =	rddreg [dreg:$0x2];
	[bflag:$0x3] =	sbarrier.arrive $0xFFFF;
	s2 =	simm.s32 @!p0 $0x1C05  }
0x9a: {  	[timem:s3], [sflag:s2] =	dma.local @!p0 [hbm:s0], s1  }
0x9b: {  	s0 =	simm.s32 @!p0 $0x5  }
0x9c: {  	_ =	swait.ge @!p0 [sflag:s0], s1  }
0x9d: {  	s1 =	ssub.s32 @!p0 $0x0, s1;
	[sflag:s0] =	ssyncset.done @!p0 $0x0  }
0x9e: {  	[sflag:s0] =	ssyncadd.s32 @!p0 s1  }
0x9f: {  	[bflag:$0x3] =	sbarrier.arrive $0xFFFF  }
0xa0: {  	_ =	shalt  }

</sc_bundles>
